<compile_context>
chip_gen: v7x
topology: tpu7x:2x2x1
jax: 0.10.2.dev20260603
libtpu: 0.0.44.dev20260713+nightly
codegen_flags: <defaults>
</compile_context>

<pallas_src>
import functools

import jax
import jax.numpy as jnp
from jax import lax
from jax.experimental import pallas as pl
from jax.experimental.pallas import tpu as pltpu
from jax.experimental.pallas import tpu_sc as plsc

_N = 8192
_C = 1000
_CP = 1008
_BLOCK = 2048
_NW = 32
_CHUNK = _N // _NW


@functools.partial(
    pl.kernel,
    mesh=plsc.VectorSubcoreMesh(core_axis_name="c", subcore_axis_name="s"),
    compiler_params=pltpu.CompilerParams(needs_layout_passes=False),
    out_type=jax.ShapeDtypeStruct((_NW, _CP), jnp.float32),
    scratch_types=[
        pltpu.VMEM((_CHUNK,), jnp.int32),
        pltpu.VMEM((16 * _CP,), jnp.float32),
        pltpu.VMEM((_CP,), jnp.float32),
    ],
)
def _sc_hist(t_hbm, hist_hbm, t_v, bank_v, row_v):
    wid = lax.axis_index("s") * 2 + lax.axis_index("c")
    base = wid * _CHUNK
    pltpu.sync_copy(t_hbm.at[pl.ds(base, _CHUNK)], t_v)

    lane = lax.iota(jnp.int32, 16)
    zeros16 = jnp.zeros((16,), jnp.float32)
    ones16 = jnp.ones((16,), jnp.float32)

    def _zero(i, _):
        for u in range(4):
            bank_v[pl.ds(i * 64 + u * 16, 16)] = zeros16
        return 0

    lax.fori_loop(0, (16 * _CP) // 64, _zero, 0)

    for j in range(_CHUNK // 16):
        t16 = t_v[pl.ds(j * 16, 16)]
        plsc.addupdate_scatter(bank_v, [t16 + lane * _CP], ones16)

    def _fold(cb, _):
        acc = bank_v[pl.ds(cb * 16, 16)]
        for l in range(1, 16):
            acc = acc + bank_v[pl.ds(l * _CP + cb * 16, 16)]
        row_v[pl.ds(cb * 16, 16)] = acc
        return 0

    lax.fori_loop(0, _CP // 16, _fold, 0)
    pltpu.sync_copy(row_v, hist_hbm.at[wid])


def _tc_main(xa_ref, xb_ref, ta_ref, tb_ref, out_ref, focal_ref):
    step = pl.program_id(0)
    nsteps = pl.num_programs(0)

    @pl.when(step == 0)
    def _init():
        focal_ref[0, 0] = 0.0

    def _focal_part(x, t):
        m = jnp.max(x, axis=0, keepdims=True)
        e = jnp.exp(x - m).astype(jnp.bfloat16)
        row = jax.lax.broadcasted_iota(jnp.int32, x.shape, 0)
        me = jnp.where(row == t, e, jnp.bfloat16(0.0))
        ones_row = jnp.ones((1, _C), jnp.bfloat16)
        dn = (((1,), (0,)), ((), ()))
        z = jax.lax.dot_general(ones_row, e, dn,
                                preferred_element_type=jnp.float32)
        pexp = jax.lax.dot_general(ones_row, me, dn,
                                   preferred_element_type=jnp.float32)
        logp = jnp.log(pexp) - jnp.log(z)
        p = jnp.exp(logp)
        one_m_p = 1.0 - p
        return jnp.sum(one_m_p * one_m_p * (-logp))

    focal_ref[0, 0] += (_focal_part(xa_ref[...], ta_ref[...])
                        + _focal_part(xb_ref[...], tb_ref[...]))

    @pl.when(step == nsteps - 1)
    def _finish():
        out_ref[...] = jnp.full((1, 1), focal_ref[0, 0], dtype=jnp.float32)


def _tc_combine(hist_ref, focal_ref, out_ref):
    counts = jnp.sum(hist_ref[...], axis=0, keepdims=True)
    counts = counts[:, :_C]
    n = jnp.float32(_N)
    s_alpha = n - jnp.sum(counts * counts) / (10.0 * n)
    loss = s_alpha * focal_ref[0, 0] / (n * n)
    out_ref[...] = jnp.full((1, 1), loss, dtype=jnp.float32)


@jax.jit
def kernel(inputs, targets):
    hists = _sc_hist(targets)
    xT = inputs.T
    t2d = targets.reshape(1, _N)
    grid = _N // _BLOCK
    focal = pl.pallas_call(
        _tc_main,
        grid=(grid,),
        in_specs=[
            pl.BlockSpec((_C, _BLOCK // 2), lambda i: (0, 2 * i)),
            pl.BlockSpec((_C, _BLOCK // 2), lambda i: (0, 2 * i + 1)),
            pl.BlockSpec((1, _BLOCK // 2), lambda i: (0, 2 * i)),
            pl.BlockSpec((1, _BLOCK // 2), lambda i: (0, 2 * i + 1)),
        ],
        out_specs=pl.BlockSpec((1, 1), lambda i: (0, 0)),
        out_shape=jax.ShapeDtypeStruct((1, 1), jnp.float32),
        scratch_shapes=[
            pltpu.SMEM((1, 1), jnp.float32),
        ],
    )(xT, xT, t2d, t2d)
    out = pl.pallas_call(
        _tc_combine,
        out_shape=jax.ShapeDtypeStruct((1, 1), jnp.float32),
    )(hists, focal)
    return out[0, 0]

# --- scband reference (transcript-rebuilt; emitter-appended) ---
"""Pipeline reference for scband-balanced-loss-11682311045707 (READ-ONLY COPY).

The authoritative reference and input builder live on the scoring server;
editing this copy changes nothing except your own understanding.
"""

import jax, jax.numpy as jnp
import numpy as np

CLASS_NUM = 1000
GAMMA = 2.0
N = 8192


def setup_inputs(seed: int = 0) -> dict:
    key = jax.random.key(seed)
    k1, k2 = jax.random.split(key)
    inputs = jax.random.normal(k1, (N, CLASS_NUM), dtype=jnp.float32)
    targets = jax.random.randint(k2, (N,), 0, CLASS_NUM, dtype=jnp.int32)
    return {"inputs": inputs, "targets": targets}


def reference(inputs, targets):
    n, c = inputs.shape
    P = jax.nn.softmax(inputs, axis=1)
    # class_mask: one-hot scatter of targets (scatter_(1, ids, 1.))
    class_mask = jax.nn.one_hot(targets, c, dtype=inputs.dtype)
    # self.alpha = histc(ids, bins=class_num, min=0, max=class_num-1) / N
    alpha = jnp.bincount(targets, length=c).astype(jnp.float32) / float(n)
    alpha = 1.0 - alpha / 10.0
    alpha_c = alpha[targets]  # shape [N]
    probs = (P * class_mask).sum(axis=1).reshape(-1, 1)  # shape [N, 1]
    log_p = jnp.log(probs)
    # Faithful to torch broadcasting: [N] * [N,1] -> [N,N]
    batch_loss = -alpha_c * jnp.power(1.0 - probs, GAMMA) * log_p
    # size_average=True -> mean
    loss = batch_loss.mean()
    return loss

if __name__ == "__main__":
    import jax
    _d = setup_inputs()
    print(jax.jit(kernel)(*tuple(_d.values())))

</pallas_src>

<mosaic_0001>
#map = affine_map<(d0, d1) -> (0)>
#map1 = affine_map<(d0, d1) -> (0, 0)>
module attributes {stable_mosaic.version = 14 : i64} {
  func.func @_sc_hist(%arg0: i32, %arg1: i32, %arg2: memref<8192xi32, #tpu.memory_space<hbm>>, %arg3: memref<32x1008xf32, #tpu.memory_space<hbm>>, %arg4: memref<256xi32, #tpu.memory_space<vmem>>, %arg5: memref<16128xf32, #tpu.memory_space<vmem>>, %arg6: memref<1008xf32, #tpu.memory_space<vmem>>) attributes {dimension_semantics = [#tpu.dimension_semantics<core_parallel>, #tpu.dimension_semantics<subcore_parallel>], iteration_bounds = array<i64: 2, 16>, scalar_prefetch = 0 : i64, scratch_operands = 3 : i64, tpu.core_type = #tpu.core_type<sc_vector_subcore>, window_params = [{transform_indices = #map}, {transform_indices = #map1}]} {
    %mul3A = arith.constant 2 : i32
    %mul3A_0 = arith.muli %arg1, %mul3A : i32
    %add3A = arith.addi %mul3A_0, %arg0 : i32
    %mul3A_1 = arith.constant 256 : i32
    %mul3A_2 = arith.muli %add3A, %mul3A_1 : i32
    "tpu.region"() ({
      %run_scoped3A = tpu.sem_alloc : memref<!tpu.dma_semaphore, #tpu.memory_space<semaphore_mem>>
      %dma_start3A = tpu.memref_slice %arg2[%mul3A_2] : memref<8192xi32, #tpu.memory_space<hbm>> -> memref<256xi32, #tpu.memory_space<hbm>>
      %dma_start3A_114 = tpu.memref_slice %arg2[%mul3A_2] : memref<8192xi32, #tpu.memory_space<hbm>> -> memref<256xi32, #tpu.memory_space<hbm>>
      tpu.enqueue_dma source(%dma_start3A_114 : memref<256xi32, #tpu.memory_space<hbm>>) target(%arg4 : memref<256xi32, #tpu.memory_space<vmem>>) target_semaphore(%run_scoped3A : memref<!tpu.dma_semaphore, #tpu.memory_space<semaphore_mem>>)
      %dma_wait3A = tpu.memref_slice %arg2[%mul3A_2] : memref<8192xi32, #tpu.memory_space<hbm>> -> memref<256xi32, #tpu.memory_space<hbm>>
      %dma_wait3A_115 = tpu.memref_slice %arg2[%mul3A_2] : memref<8192xi32, #tpu.memory_space<hbm>> -> memref<256xi32, #tpu.memory_space<hbm>>
      tpu.wait_dma2 semaphore(%run_scoped3A : memref<!tpu.dma_semaphore, #tpu.memory_space<semaphore_mem>>) src(%dma_wait3A_115 : memref<256xi32, #tpu.memory_space<hbm>>) dst(%arg4 : memref<256xi32, #tpu.memory_space<vmem>>)
      tpu.yield
    }) : () -> ()
    %iota3A = tpu.iota {dimensions = array<i32: 0>} : vector<16xi32>
    %broadcast_in_dim3A = arith.constant 0.000000e+00 : f32
    %broadcast_in_dim3A_3 = vector.broadcast %broadcast_in_dim3A : f32 to vector<16xf32>
    %broadcast_in_dim3A_4 = arith.constant 1.000000e+00 : f32
    %broadcast_in_dim3A_5 = vector.broadcast %broadcast_in_dim3A_4 : f32 to vector<16xf32>
    %scan3A = arith.constant 0 : i32
    %scan3A_6 = arith.constant 0 : i32
    %scan3A_7 = arith.constant 252 : i32
    %scan3A_8 = arith.addi %scan3A_6, %scan3A_7 : i32
    %scan3A_9 = arith.constant 1 : i32
    %scan3A_10 = scf.for %scan3A_114 = %scan3A_6 to %scan3A_8 step %scan3A_9 iter_args(%scan3A_115 = %scan3A) -> (i32)  : i32 {
      %mul3A_116 = arith.constant 64 : i32
      %mul3A_117 = arith.muli %scan3A_114, %mul3A_116 : i32
      %add3A_118 = arith.constant 0 : i32
      %add3A_119 = arith.addi %mul3A_117, %add3A_118 : i32
      %swap3A = arith.index_cast %add3A_119 : i32 to index
      %swap3A_120 = tpu.vector_load %arg5[%swap3A] {strides = array<i32>} : memref<16128xf32, #tpu.memory_space<vmem>>, vector<16xf32>,
      tpu.vector_store %arg5[%swap3A], %broadcast_in_dim3A_3 {strides = array<i32>} : memref<16128xf32, #tpu.memory_space<vmem>>, vector<16xf32>,
      %mul3A_121 = arith.constant 64 : i32
      %mul3A_122 = arith.muli %scan3A_114, %mul3A_121 : i32
      %add3A_123 = arith.constant 16 : i32
      %add3A_124 = arith.addi %mul3A_122, %add3A_123 : i32
      %swap3A_125 = arith.index_cast %add3A_124 : i32 to index
      %swap3A_126 = tpu.vector_load %arg5[%swap3A_125] {strides = array<i32>} : memref<16128xf32, #tpu.memory_space<vmem>>, vector<16xf32>,
      tpu.vector_store %arg5[%swap3A_125], %broadcast_in_dim3A_3 {strides = array<i32>} : memref<16128xf32, #tpu.memory_space<vmem>>, vector<16xf32>,
      %mul3A_127 = arith.constant 64 : i32
      %mul3A_128 = arith.muli %scan3A_114, %mul3A_127 : i32
      %add3A_129 = arith.constant 32 : i32
      %add3A_130 = arith.addi %mul3A_128, %add3A_129 : i32
      %swap3A_131 = arith.index_cast %add3A_130 : i32 to index
      %swap3A_132 = tpu.vector_load %arg5[%swap3A_131] {strides = array<i32>} : memref<16128xf32, #tpu.memory_space<vmem>>, vector<16xf32>,
      tpu.vector_store %arg5[%swap3A_131], %broadcast_in_dim3A_3 {strides = array<i32>} : memref<16128xf32, #tpu.memory_space<vmem>>, vector<16xf32>,
      %mul3A_133 = arith.constant 64 : i32
      %mul3A_134 = arith.muli %scan3A_114, %mul3A_133 : i32
      %add3A_135 = arith.constant 48 : i32
      %add3A_136 = arith.addi %mul3A_134, %add3A_135 : i32
      %swap3A_137 = arith.index_cast %add3A_136 : i32 to index
      %swap3A_138 = tpu.vector_load %arg5[%swap3A_137] {strides = array<i32>} : memref<16128xf32, #tpu.memory_space<vmem>>, vector<16xf32>,
      tpu.vector_store %arg5[%swap3A_137], %broadcast_in_dim3A_3 {strides = array<i32>} : memref<16128xf32, #tpu.memory_space<vmem>>, vector<16xf32>,
      %scan3A_139 = arith.constant 0 : i32
      scf.yield %scan3A_139 : i32
    }
    %scan3A_11 = arith.constant 252 : i32
    %get3A = arith.constant 0 : index
    %get3A_12 = tpu.vector_load %arg4[%get3A] {strides = array<i32>} : memref<256xi32, #tpu.memory_space<vmem>>, vector<16xi32>,
    %mul3A_13 = arith.constant 1008 : i32
    %mul3A_14 = vector.broadcast %mul3A_13 : i32 to vector<16xi32>
    %mul3A_15 = arith.muli %iota3A, %mul3A_14 : vector<16xi32>
    %add3A_16 = arith.addi %get3A_12, %mul3A_15 : vector<16xi32>
    tpu.vector_store_idx %arg5[%add3A_16], %broadcast_in_dim3A_5 {add = true} : memref<16128xf32, #tpu.memory_space<vmem>>[vector<16xi32>], vector<16xf32>,
    %get3A_17 = arith.constant 16 : index
    %get3A_18 = tpu.vector_load %arg4[%get3A_17] {strides = array<i32>} : memref<256xi32, #tpu.memory_space<vmem>>, vector<16xi32>,
    %mul3A_19 = arith.constant 1008 : i32
    %mul3A_20 = vector.broadcast %mul3A_19 : i32 to vector<16xi32>
    %mul3A_21 = arith.muli %iota3A, %mul3A_20 : vector<16xi32>
    %add3A_22 = arith.addi %get3A_18, %mul3A_21 : vector<16xi32>
    tpu.vector_store_idx %arg5[%add3A_22], %broadcast_in_dim3A_5 {add = true} : memref<16128xf32, #tpu.memory_space<vmem>>[vector<16xi32>], vector<16xf32>,
    %get3A_23 = arith.constant 32 : index
    %get3A_24 = tpu.vector_load %arg4[%get3A_23] {strides = array<i32>} : memref<256xi32, #tpu.memory_space<vmem>>, vector<16xi32>,
    %mul3A_25 = arith.constant 1008 : i32
    %mul3A_26 = vector.broadcast %mul3A_25 : i32 to vector<16xi32>
    %mul3A_27 = arith.muli %iota3A, %mul3A_26 : vector<16xi32>
    %add3A_28 = arith.addi %get3A_24, %mul3A_27 : vector<16xi32>
    tpu.vector_store_idx %arg5[%add3A_28], %broadcast_in_dim3A_5 {add = true} : memref<16128xf32, #tpu.memory_space<vmem>>[vector<16xi32>], vector<16xf32>,
    %get3A_29 = arith.constant 48 : index
    %get3A_30 = tpu.vector_load %arg4[%get3A_29] {strides = array<i32>} : memref<256xi32, #tpu.memory_space<vmem>>, vector<16xi32>,
    %mul3A_31 = arith.constant 1008 : i32
    %mul3A_32 = vector.broadcast %mul3A_31 : i32 to vector<16xi32>
    %mul3A_33 = arith.muli %iota3A, %mul3A_32 : vector<16xi32>
    %add3A_34 = arith.addi %get3A_30, %mul3A_33 : vector<16xi32>
    tpu.vector_store_idx %arg5[%add3A_34], %broadcast_in_dim3A_5 {add = true} : memref<16128xf32, #tpu.memory_space<vmem>>[vector<16xi32>], vector<16xf32>,
    %get3A_35 = arith.constant 64 : index
    %get3A_36 = tpu.vector_load %arg4[%get3A_35] {strides = array<i32>} : memref<256xi32, #tpu.memory_space<vmem>>, vector<16xi32>,
    %mul3A_37 = arith.constant 1008 : i32
    %mul3A_38 = vector.broadcast %mul3A_37 : i32 to vector<16xi32>
    %mul3A_39 = arith.muli %iota3A, %mul3A_38 : vector<16xi32>
    %add3A_40 = arith.addi %get3A_36, %mul3A_39 : vector<16xi32>
    tpu.vector_store_idx %arg5[%add3A_40], %broadcast_in_dim3A_5 {add = true} : memref<16128xf32, #tpu.memory_space<vmem>>[vector<16xi32>], vector<16xf32>,
    %get3A_41 = arith.constant 80 : index
    %get3A_42 = tpu.vector_load %arg4[%get3A_41] {strides = array<i32>} : memref<256xi32, #tpu.memory_space<vmem>>, vector<16xi32>,
    %mul3A_43 = arith.constant 1008 : i32
    %mul3A_44 = vector.broadcast %mul3A_43 : i32 to vector<16xi32>
    %mul3A_45 = arith.muli %iota3A, %mul3A_44 : vector<16xi32>
    %add3A_46 = arith.addi %get3A_42, %mul3A_45 : vector<16xi32>
    tpu.vector_store_idx %arg5[%add3A_46], %broadcast_in_dim3A_5 {add = true} : memref<16128xf32, #tpu.memory_space<vmem>>[vector<16xi32>], vector<16xf32>,
    %get3A_47 = arith.constant 96 : index
    %get3A_48 = tpu.vector_load %arg4[%get3A_47] {strides = array<i32>} : memref<256xi32, #tpu.memory_space<vmem>>, vector<16xi32>,
    %mul3A_49 = arith.constant 1008 : i32
    %mul3A_50 = vector.broadcast %mul3A_49 : i32 to vector<16xi32>
    %mul3A_51 = arith.muli %iota3A, %mul3A_50 : vector<16xi32>
    %add3A_52 = arith.addi %get3A_48, %mul3A_51 : vector<16xi32>
    tpu.vector_store_idx %arg5[%add3A_52], %broadcast_in_dim3A_5 {add = true} : memref<16128xf32, #tpu.memory_space<vmem>>[vector<16xi32>], vector<16xf32>,
    %get3A_53 = arith.constant 112 : index
    %get3A_54 = tpu.vector_load %arg4[%get3A_53] {strides = array<i32>} : memref<256xi32, #tpu.memory_space<vmem>>, vector<16xi32>,
    %mul3A_55 = arith.constant 1008 : i32
    %mul3A_56 = vector.broadcast %mul3A_55 : i32 to vector<16xi32>
    %mul3A_57 = arith.muli %iota3A, %mul3A_56 : vector<16xi32>
    %add3A_58 = arith.addi %get3A_54, %mul3A_57 : vector<16xi32>
    tpu.vector_store_idx %arg5[%add3A_58], %broadcast_in_dim3A_5 {add = true} : memref<16128xf32, #tpu.memory_space<vmem>>[vector<16xi32>], vector<16xf32>,
    %get3A_59 = arith.constant 128 : index
    %get3A_60 = tpu.vector_load %arg4[%get3A_59] {strides = array<i32>} : memref<256xi32, #tpu.memory_space<vmem>>, vector<16xi32>,
    %mul3A_61 = arith.constant 1008 : i32
    %mul3A_62 = vector.broadcast %mul3A_61 : i32 to vector<16xi32>
    %mul3A_63 = arith.muli %iota3A, %mul3A_62 : vector<16xi32>
    %add3A_64 = arith.addi %get3A_60, %mul3A_63 : vector<16xi32>
    tpu.vector_store_idx %arg5[%add3A_64], %broadcast_in_dim3A_5 {add = true} : memref<16128xf32, #tpu.memory_space<vmem>>[vector<16xi32>], vector<16xf32>,
    %get3A_65 = arith.constant 144 : index
    %get3A_66 = tpu.vector_load %arg4[%get3A_65] {strides = array<i32>} : memref<256xi32, #tpu.memory_space<vmem>>, vector<16xi32>,
    %mul3A_67 = arith.constant 1008 : i32
    %mul3A_68 = vector.broadcast %mul3A_67 : i32 to vector<16xi32>
    %mul3A_69 = arith.muli %iota3A, %mul3A_68 : vector<16xi32>
    %add3A_70 = arith.addi %get3A_66, %mul3A_69 : vector<16xi32>
    tpu.vector_store_idx %arg5[%add3A_70], %broadcast_in_dim3A_5 {add = true} : memref<16128xf32, #tpu.memory_space<vmem>>[vector<16xi32>], vector<16xf32>,
    %get3A_71 = arith.constant 160 : index
    %get3A_72 = tpu.vector_load %arg4[%get3A_71] {strides = array<i32>} : memref<256xi32, #tpu.memory_space<vmem>>, vector<16xi32>,
    %mul3A_73 = arith.constant 1008 : i32
    %mul3A_74 = vector.broadcast %mul3A_73 : i32 to vector<16xi32>
    %mul3A_75 = arith.muli %iota3A, %mul3A_74 : vector<16xi32>
    %add3A_76 = arith.addi %get3A_72, %mul3A_75 : vector<16xi32>
    tpu.vector_store_idx %arg5[%add3A_76], %broadcast_in_dim3A_5 {add = true} : memref<16128xf32, #tpu.memory_space<vmem>>[vector<16xi32>], vector<16xf32>,
    %get3A_77 = arith.constant 176 : index
    %get3A_78 = tpu.vector_load %arg4[%get3A_77] {strides = array<i32>} : memref<256xi32, #tpu.memory_space<vmem>>, vector<16xi32>,
    %mul3A_79 = arith.constant 1008 : i32
    %mul3A_80 = vector.broadcast %mul3A_79 : i32 to vector<16xi32>
    %mul3A_81 = arith.muli %iota3A, %mul3A_80 : vector<16xi32>
    %add3A_82 = arith.addi %get3A_78, %mul3A_81 : vector<16xi32>
    tpu.vector_store_idx %arg5[%add3A_82], %broadcast_in_dim3A_5 {add = true} : memref<16128xf32, #tpu.memory_space<vmem>>[vector<16xi32>], vector<16xf32>,
    %get3A_83 = arith.constant 192 : index
    %get3A_84 = tpu.vector_load %arg4[%get3A_83] {strides = array<i32>} : memref<256xi32, #tpu.memory_space<vmem>>, vector<16xi32>,
    %mul3A_85 = arith.constant 1008 : i32
    %mul3A_86 = vector.broadcast %mul3A_85 : i32 to vector<16xi32>
    %mul3A_87 = arith.muli %iota3A, %mul3A_86 : vector<16xi32>
    %add3A_88 = arith.addi %get3A_84, %mul3A_87 : vector<16xi32>
    tpu.vector_store_idx %arg5[%add3A_88], %broadcast_in_dim3A_5 {add = true} : memref<16128xf32, #tpu.memory_space<vmem>>[vector<16xi32>], vector<16xf32>,
    %get3A_89 = arith.constant 208 : index
    %get3A_90 = tpu.vector_load %arg4[%get3A_89] {strides = array<i32>} : memref<256xi32, #tpu.memory_space<vmem>>, vector<16xi32>,
    %mul3A_91 = arith.constant 1008 : i32
    %mul3A_92 = vector.broadcast %mul3A_91 : i32 to vector<16xi32>
    %mul3A_93 = arith.muli %iota3A, %mul3A_92 : vector<16xi32>
    %add3A_94 = arith.addi %get3A_90, %mul3A_93 : vector<16xi32>
    tpu.vector_store_idx %arg5[%add3A_94], %broadcast_in_dim3A_5 {add = true} : memref<16128xf32, #tpu.memory_space<vmem>>[vector<16xi32>], vector<16xf32>,
    %get3A_95 = arith.constant 224 : index
    %get3A_96 = tpu.vector_load %arg4[%get3A_95] {strides = array<i32>} : memref<256xi32, #tpu.memory_space<vmem>>, vector<16xi32>,
    %mul3A_97 = arith.constant 1008 : i32
    %mul3A_98 = vector.broadcast %mul3A_97 : i32 to vector<16xi32>
    %mul3A_99 = arith.muli %iota3A, %mul3A_98 : vector<16xi32>
    %add3A_100 = arith.addi %get3A_96, %mul3A_99 : vector<16xi32>
    tpu.vector_store_idx %arg5[%add3A_100], %broadcast_in_dim3A_5 {add = true} : memref<16128xf32, #tpu.memory_space<vmem>>[vector<16xi32>], vector<16xf32>,
    %get3A_101 = arith.constant 240 : index
    %get3A_102 = tpu.vector_load %arg4[%get3A_101] {strides = array<i32>} : memref<256xi32, #tpu.memory_space<vmem>>, vector<16xi32>,
    %mul3A_103 = arith.constant 1008 : i32
    %mul3A_104 = vector.broadcast %mul3A_103 : i32 to vector<16xi32>
    %mul3A_105 = arith.muli %iota3A, %mul3A_104 : vector<16xi32>
    %add3A_106 = arith.addi %get3A_102, %mul3A_105 : vector<16xi32>
    tpu.vector_store_idx %arg5[%add3A_106], %broadcast_in_dim3A_5 {add = true} : memref<16128xf32, #tpu.memory_space<vmem>>[vector<16xi32>], vector<16xf32>,
    %scan3A_107 = arith.constant 0 : i32
    %scan3A_108 = arith.constant 0 : i32
    %scan3A_109 = arith.constant 63 : i32
    %scan3A_110 = arith.addi %scan3A_108, %scan3A_109 : i32
    %scan3A_111 = arith.constant 1 : i32
    %scan3A_112 = scf.for %scan3A_114 = %scan3A_108 to %scan3A_110 step %scan3A_111 iter_args(%scan3A_115 = %scan3A_107) -> (i32)  : i32 {
      %mul3A_116 = arith.constant 16 : i32
      %mul3A_117 = arith.muli %scan3A_114, %mul3A_116 : i32
      %get3A_118 = arith.index_cast %mul3A_117 : i32 to index
      %get3A_119 = tpu.vector_load %arg5[%get3A_118] {strides = array<i32>} : memref<16128xf32, #tpu.memory_space<vmem>>, vector<16xf32>,
      %mul3A_120 = arith.constant 16 : i32
      %mul3A_121 = arith.muli %scan3A_114, %mul3A_120 : i32
      %add3A_122 = arith.constant 1008 : i32
      %add3A_123 = arith.addi %add3A_122, %mul3A_121 : i32
      %get3A_124 = arith.index_cast %add3A_123 : i32 to index
      %get3A_125 = tpu.vector_load %arg5[%get3A_124] {strides = array<i32>} : memref<16128xf32, #tpu.memory_space<vmem>>, vector<16xf32>,
      %add3A_126 = arith.addf %get3A_119, %get3A_125 : vector<16xf32>
      %mul3A_127 = arith.constant 16 : i32
      %mul3A_128 = arith.muli %scan3A_114, %mul3A_127 : i32
      %add3A_129 = arith.constant 2016 : i32
      %add3A_130 = arith.addi %add3A_129, %mul3A_128 : i32
      %get3A_131 = arith.index_cast %add3A_130 : i32 to index
      %get3A_132 = tpu.vector_load %arg5[%get3A_131] {strides = array<i32>} : memref<16128xf32, #tpu.memory_space<vmem>>, vector<16xf32>,
      %add3A_133 = arith.addf %add3A_126, %get3A_132 : vector<16xf32>
      %mul3A_134 = arith.constant 16 : i32
      %mul3A_135 = arith.muli %scan3A_114, %mul3A_134 : i32
      %add3A_136 = arith.constant 3024 : i32
      %add3A_137 = arith.addi %add3A_136, %mul3A_135 : i32
      %get3A_138 = arith.index_cast %add3A_137 : i32 to index
      %get3A_139 = tpu.vector_load %arg5[%get3A_138] {strides = array<i32>} : memref<16128xf32, #tpu.memory_space<vmem>>, vector<16xf32>,
      %add3A_140 = arith.addf %add3A_133, %get3A_139 : vector<16xf32>
      %mul3A_141 = arith.constant 16 : i32
      %mul3A_142 = arith.muli %scan3A_114, %mul3A_141 : i32
      %add3A_143 = arith.constant 4032 : i32
      %add3A_144 = arith.addi %add3A_143, %mul3A_142 : i32
      %get3A_145 = arith.index_cast %add3A_144 : i32 to index
      %get3A_146 = tpu.vector_load %arg5[%get3A_145] {strides = array<i32>} : memref<16128xf32, #tpu.memory_space<vmem>>, vector<16xf32>,
      %add3A_147 = arith.addf %add3A_140, %get3A_146 : vector<16xf32>
      %mul3A_148 = arith.constant 16 : i32
      %mul3A_149 = arith.muli %scan3A_114, %mul3A_148 : i32
      %add3A_150 = arith.constant 5040 : i32
      %add3A_151 = arith.addi %add3A_150, %mul3A_149 : i32
      %get3A_152 = arith.index_cast %add3A_151 : i32 to index
      %get3A_153 = tpu.vector_load %arg5[%get3A_152] {strides = array<i32>} : memref<16128xf32, #tpu.memory_space<vmem>>, vector<16xf32>,
      %add3A_154 = arith.addf %add3A_147, %get3A_153 : vector<16xf32>
      %mul3A_155 = arith.constant 16 : i32
      %mul3A_156 = arith.muli %scan3A_114, %mul3A_155 : i32
      %add3A_157 = arith.constant 6048 : i32
      %add3A_158 = arith.addi %add3A_157, %mul3A_156 : i32
      %get3A_159 = arith.index_cast %add3A_158 : i32 to index
      %get3A_160 = tpu.vector_load %arg5[%get3A_159] {strides = array<i32>} : memref<16128xf32, #tpu.memory_space<vmem>>, vector<16xf32>,
      %add3A_161 = arith.addf %add3A_154, %get3A_160 : vector<16xf32>
      %mul3A_162 = arith.constant 16 : i32
      %mul3A_163 = arith.muli %scan3A_114, %mul3A_162 : i32
      %add3A_164 = arith.constant 7056 : i32
      %add3A_165 = arith.addi %add3A_164, %mul3A_163 : i32
      %get3A_166 = arith.index_cast %add3A_165 : i32 to index
      %get3A_167 = tpu.vector_load %arg5[%get3A_166] {strides = array<i32>} : memref<16128xf32, #tpu.memory_space<vmem>>, vector<16xf32>,
      %add3A_168 = arith.addf %add3A_161, %get3A_167 : vector<16xf32>
      %mul3A_169 = arith.constant 16 : i32
      %mul3A_170 = arith.muli %scan3A_114, %mul3A_169 : i32
      %add3A_171 = arith.constant 8064 : i32
      %add3A_172 = arith.addi %add3A_171, %mul3A_170 : i32
      %get3A_173 = arith.index_cast %add3A_172 : i32 to index
      %get3A_174 = tpu.vector_load %arg5[%get3A_173] {strides = array<i32>} : memref<16128xf32, #tpu.memory_space<vmem>>, vector<16xf32>,
      %add3A_175 = arith.addf %add3A_168, %get3A_174 : vector<16xf32>
      %mul3A_176 = arith.constant 16 : i32
      %mul3A_177 = arith.muli %scan3A_114, %mul3A_176 : i32
      %add3A_178 = arith.constant 9072 : i32
      %add3A_179 = arith.addi %add3A_178, %mul3A_177 : i32
      %get3A_180 = arith.index_cast %add3A_179 : i32 to index
      %get3A_181 = tpu.vector_load %arg5[%get3A_180] {strides = array<i32>} : memref<16128xf32, #tpu.memory_space<vmem>>, vector<16xf32>,
      %add3A_182 = arith.addf %add3A_175, %get3A_181 : vector<16xf32>
      %mul3A_183 = arith.constant 16 : i32
      %mul3A_184 = arith.muli %scan3A_114, %mul3A_183 : i32
      %add3A_185 = arith.constant 10080 : i32
      %add3A_186 = arith.addi %add3A_185, %mul3A_184 : i32
      %get3A_187 = arith.index_cast %add3A_186 : i32 to index
      %get3A_188 = tpu.vector_load %arg5[%get3A_187] {strides = array<i32>} : memref<16128xf32, #tpu.memory_space<vmem>>, vector<16xf32>,
      %add3A_189 = arith.addf %add3A_182, %get3A_188 : vector<16xf32>
      %mul3A_190 = arith.constant 16 : i32
      %mul3A_191 = arith.muli %scan3A_114, %mul3A_190 : i32
      %add3A_192 = arith.constant 11088 : i32
      %add3A_193 = arith.addi %add3A_192, %mul3A_191 : i32
      %get3A_194 = arith.index_cast %add3A_193 : i32 to index
      %get3A_195 = tpu.vector_load %arg5[%get3A_194] {strides = array<i32>} : memref<16128xf32, #tpu.memory_space<vmem>>, vector<16xf32>,
      %add3A_196 = arith.addf %add3A_189, %get3A_195 : vector<16xf32>
      %mul3A_197 = arith.constant 16 : i32
      %mul3A_198 = arith.muli %scan3A_114, %mul3A_197 : i32
      %add3A_199 = arith.constant 12096 : i32
      %add3A_200 = arith.addi %add3A_199, %mul3A_198 : i32
      %get3A_201 = arith.index_cast %add3A_200 : i32 to index
      %get3A_202 = tpu.vector_load %arg5[%get3A_201] {strides = array<i32>} : memref<16128xf32, #tpu.memory_space<vmem>>, vector<16xf32>,
      %add3A_203 = arith.addf %add3A_196, %get3A_202 : vector<16xf32>
      %mul3A_204 = arith.constant 16 : i32
      %mul3A_205 = arith.muli %scan3A_114, %mul3A_204 : i32
      %add3A_206 = arith.constant 13104 : i32
      %add3A_207 = arith.addi %add3A_206, %mul3A_205 : i32
      %get3A_208 = arith.index_cast %add3A_207 : i32 to index
      %get3A_209 = tpu.vector_load %arg5[%get3A_208] {strides = array<i32>} : memref<16128xf32, #tpu.memory_space<vmem>>, vector<16xf32>,
      %add3A_210 = arith.addf %add3A_203, %get3A_209 : vector<16xf32>
      %mul3A_211 = arith.constant 16 : i32
      %mul3A_212 = arith.muli %scan3A_114, %mul3A_211 : i32
      %add3A_213 = arith.constant 14112 : i32
      %add3A_214 = arith.addi %add3A_213, %mul3A_212 : i32
      %get3A_215 = arith.index_cast %add3A_214 : i32 to index
      %get3A_216 = tpu.vector_load %arg5[%get3A_215] {strides = array<i32>} : memref<16128xf32, #tpu.memory_space<vmem>>, vector<16xf32>,
      %add3A_217 = arith.addf %add3A_210, %get3A_216 : vector<16xf32>
      %mul3A_218 = arith.constant 16 : i32
      %mul3A_219 = arith.muli %scan3A_114, %mul3A_218 : i32
      %add3A_220 = arith.constant 15120 : i32
      %add3A_221 = arith.addi %add3A_220, %mul3A_219 : i32
      %get3A_222 = arith.index_cast %add3A_221 : i32 to index
      %get3A_223 = tpu.vector_load %arg5[%get3A_222] {strides = array<i32>} : memref<16128xf32, #tpu.memory_space<vmem>>, vector<16xf32>,
      %add3A_224 = arith.addf %add3A_217, %get3A_223 : vector<16xf32>
      %mul3A_225 = arith.constant 16 : i32
      %mul3A_226 = arith.muli %scan3A_114, %mul3A_225 : i32
      %swap3A = arith.index_cast %mul3A_226 : i32 to index
      %swap3A_227 = tpu.vector_load %arg6[%swap3A] {strides = array<i32>} : memref<1008xf32, #tpu.memory_space<vmem>>, vector<16xf32>,
      tpu.vector_store %arg6[%swap3A], %add3A_224 {strides = array<i32>} : memref<1008xf32, #tpu.memory_space<vmem>>, vector<16xf32>,
      %scan3A_228 = arith.constant 0 : i32
      scf.yield %scan3A_228 : i32
    }
    %scan3A_113 = arith.constant 63 : i32
    "tpu.region"() ({
      %run_scoped3A = tpu.sem_alloc : memref<!tpu.dma_semaphore, #tpu.memory_space<semaphore_mem>>
      %dma_start3A = arith.constant 0 : i32
      %dma_start3A_114 = tpu.memref_slice %arg3[%add3A, %dma_start3A] : memref<32x1008xf32, #tpu.memory_space<hbm>> -> memref<1x1008xf32, #tpu.memory_space<hbm>>
      %dma_start3A_115 = tpu.memref_squeeze %dma_start3A_114 : memref<1x1008xf32, #tpu.memory_space<hbm>> -> memref<1008xf32, #tpu.memory_space<hbm>>
      %dma_start3A_116 = arith.constant 0 : i32
      %dma_start3A_117 = tpu.memref_slice %arg3[%add3A, %dma_start3A_116] : memref<32x1008xf32, #tpu.memory_space<hbm>> -> memref<1x1008xf32, #tpu.memory_space<hbm>>
      %dma_start3A_118 = tpu.memref_squeeze %dma_start3A_117 : memref<1x1008xf32, #tpu.memory_space<hbm>> -> memref<1008xf32, #tpu.memory_space<hbm>>
      tpu.enqueue_dma source(%arg6 : memref<1008xf32, #tpu.memory_space<vmem>>) target(%dma_start3A_118 : memref<1008xf32, #tpu.memory_space<hbm>>) target_semaphore(%run_scoped3A : memref<!tpu.dma_semaphore, #tpu.memory_space<semaphore_mem>>)
      %dma_wait3A = arith.constant 0 : i32
      %dma_wait3A_119 = tpu.memref_slice %arg3[%add3A, %dma_wait3A] : memref<32x1008xf32, #tpu.memory_space<hbm>> -> memref<1x1008xf32, #tpu.memory_space<hbm>>
      %dma_wait3A_120 = tpu.memref_squeeze %dma_wait3A_119 : memref<1x1008xf32, #tpu.memory_space<hbm>> -> memref<1008xf32, #tpu.memory_space<hbm>>
      %dma_wait3A_121 = arith.constant 0 : i32
      %dma_wait3A_122 = tpu.memref_slice %arg3[%add3A, %dma_wait3A_121] : memref<32x1008xf32, #tpu.memory_space<hbm>> -> memref<1x1008xf32, #tpu.memory_space<hbm>>
      %dma_wait3A_123 = tpu.memref_squeeze %dma_wait3A_122 : memref<1x1008xf32, #tpu.memory_space<hbm>> -> memref<1008xf32, #tpu.memory_space<hbm>>
      tpu.wait_dma2 semaphore(%run_scoped3A : memref<!tpu.dma_semaphore, #tpu.memory_space<semaphore_mem>>) src(%arg6 : memref<1008xf32, #tpu.memory_space<vmem>>) dst(%dma_wait3A_123 : memref<1008xf32, #tpu.memory_space<hbm>>)
      tpu.yield
    }) : () -> ()
    return
  }
}

module attributes {stable_mosaic.version = 14 : i64} {
  func.func @_tc_combine(%arg0: memref<32x1008xf32, #tpu.memory_space<vmem>>, %arg1: memref<1x1xf32, #tpu.memory_space<vmem>>, %arg2: memref<1x1xf32, #tpu.memory_space<vmem>>) attributes {dimension_semantics = [], scalar_prefetch = 0 : i64, scratch_operands = 0 : i64, tpu.core_type = #tpu.core_type<tc>} {
    %get3A = arith.constant 0 : index
    %get3A_0 = arith.constant 0 : index
    %get3A_1 = vector.load %arg0[%get3A, %get3A_0] : memref<32x1008xf32, #tpu.memory_space<vmem>>, vector<32x1008xf32>
    %reduce_sum3A = arith.constant dense<0.000000e+00> : vector<1008xf32>
    %reduce_sum3A_2 = vector.multi_reduction <add>, %get3A_1, %reduce_sum3A [0] : vector<32x1008xf32> to vector<1008xf32>
    %broadcast_in_dim3A = vector.shape_cast %reduce_sum3A_2 : vector<1008xf32> to vector<1x1008xf32>
    %slice3A = vector.extract_strided_slice %broadcast_in_dim3A {offsets = [0, 0], sizes = [1, 1000], strides = [1, 1]} : vector<1x1008xf32> to vector<1x1000xf32>
    %mul3A = arith.mulf %slice3A, %slice3A : vector<1x1000xf32>
    %reduce_sum3A_3 = vector.shape_cast %mul3A : vector<1x1000xf32> to vector<1x1x1000xf32>
    %reduce_sum3A_4 = arith.constant dense<0.000000e+00> : vector<1xf32>
    %reduce_sum3A_5 = vector.multi_reduction <add>, %reduce_sum3A_3, %reduce_sum3A_4 [1, 2] : vector<1x1x1000xf32> to vector<1xf32>
    %reduce_sum3A_6 = vector.shape_cast %reduce_sum3A_5 : vector<1xf32> to vector<1x1x1xf32>
    %reduce_sum3A_7 = vector.extract %reduce_sum3A_6[0, 0, 0] : f32 from vector<1x1x1xf32>
    %mul3A_8 = arith.constant 1.000000e+01 : f32
    %mul3A_9 = arith.constant 8.192000e+03 : f32
    %mul3A_10 = arith.mulf %mul3A_8, %mul3A_9 : f32
    %div3A = arith.divf %reduce_sum3A_7, %mul3A_10 : f32
    %sub3A = arith.constant 8.192000e+03 : f32
    %sub3A_11 = arith.subf %sub3A, %div3A : f32
    %get3A_12 = arith.constant 0 : index
    %get3A_13 = arith.constant 0 : index
    %get3A_14 = vector.load %arg1[%get3A_12, %get3A_13] : memref<1x1xf32, #tpu.memory_space<vmem>>, vector<1x1xf32>
    %get3A_15 = vector.extract %get3A_14[0, 0] : f32 from vector<1x1xf32>
    %mul3A_16 = arith.mulf %sub3A_11, %get3A_15 : f32
    %mul3A_17 = arith.constant 8.192000e+03 : f32
    %mul3A_18 = arith.constant 8.192000e+03 : f32
    %mul3A_19 = arith.mulf %mul3A_17, %mul3A_18 : f32
    %div3A_20 = arith.divf %mul3A_16, %mul3A_19 : f32
    %broadcast_in_dim3A_21 = vector.broadcast %div3A_20 : f32 to vector<1x1xf32>
    %swap3A = arith.constant 0 : index
    %swap3A_22 = arith.constant 0 : index
    %swap3A_23 = vector.load %arg2[%swap3A, %swap3A_22] : memref<1x1xf32, #tpu.memory_space<vmem>>, vector<1x1xf32>
    tpu.vector_store %arg2[%swap3A, %swap3A_22], %broadcast_in_dim3A_21 {strides = array<i32>} : memref<1x1xf32, #tpu.memory_space<vmem>>, vector<1x1xf32>,
    return
  }
}

module attributes {stable_mosaic.version = 14 : i64} {
  func.func @_tc_main(%arg0: i32, %arg1: memref<1000x1024xf32, #tpu.memory_space<vmem>>, %arg2: memref<1000x1024xf32, #tpu.memory_space<vmem>>, %arg3: memref<1x1024xi32, #tpu.memory_space<vmem>>, %arg4: memref<1x1024xi32, #tpu.memory_space<vmem>>, %arg5: memref<1x1xf32, #tpu.memory_space<vmem>>, %arg6: memref<1x1xf32, #tpu.memory_space<smem>>) attributes {dimension_semantics = [#tpu.dimension_semantics<arbitrary>], iteration_bounds = array<i64: 4>, scalar_prefetch = 0 : i64, scratch_operands = 1 : i64, tpu.core_type = #tpu.core_type<tc>, window_params = [{transform_indices = @transform_0, window_bounds = array<i64: 1000, 1024>}, {transform_indices = @transform_1, window_bounds = array<i64: 1000, 1024>}, {transform_indices = @transform_2, window_bounds = array<i64: 1, 1024>}, {transform_indices = @transform_3, window_bounds = array<i64: 1, 1024>}, {pipeline_mode = #tpu.pipeline_mode<synchronous>, transform_indices = @transform_4, window_bounds = array<i64: 1, 1>}]} {
    %eq3A = arith.constant 0 : i32
    %eq3A_0 = arith.cmpi eq, %arg0, %eq3A : i32
    %convert_element_type3A = arith.extui %eq3A_0 : i1 to i32
    %cond3A = arith.constant 0 : i32
    %cond3A_1 = arith.cmpi ne, %convert_element_type3A, %cond3A : i32
    scf.if %cond3A_1 {
      %swap3A_84 = arith.constant 0.000000e+00 : f32
      %swap3A_85 = arith.constant 0 : index
      %swap3A_86 = arith.constant 0 : index
      %swap3A_87 = memref.load %arg6[%swap3A_85, %swap3A_86] : memref<1x1xf32, #tpu.memory_space<smem>>
      memref.store %swap3A_84, %arg6[%swap3A_85, %swap3A_86] : memref<1x1xf32, #tpu.memory_space<smem>>
    } else {
    }
    %get3A = arith.constant 0 : index
    %get3A_2 = arith.constant 0 : index
    %get3A_3 = memref.load %arg6[%get3A, %get3A_2] : memref<1x1xf32, #tpu.memory_space<smem>>
    %get3A_4 = arith.constant 0 : index
    %get3A_5 = arith.constant 0 : index
    %get3A_6 = vector.load %arg1[%get3A_4, %get3A_5] : memref<1000x1024xf32, #tpu.memory_space<vmem>>, vector<1000x1024xf32>
    %get3A_7 = arith.constant 0 : index
    %get3A_8 = arith.constant 0 : index
    %get3A_9 = vector.load %arg3[%get3A_7, %get3A_8] : memref<1x1024xi32, #tpu.memory_space<vmem>>, vector<1x1024xi32>
    %reduce_max3A = arith.constant dense<0xFF800000> : vector<1024xf32>
    %reduce_max3A_10 = vector.multi_reduction <maximumf>, %get3A_6, %reduce_max3A [0] : vector<1000x1024xf32> to vector<1024xf32>
    %broadcast_in_dim3A = vector.shape_cast %reduce_max3A_10 : vector<1024xf32> to vector<1x1024xf32>
    %sub3A = vector.broadcast %broadcast_in_dim3A : vector<1x1024xf32> to vector<1000x1024xf32>
    %sub3A_11 = arith.subf %get3A_6, %sub3A : vector<1000x1024xf32>
    %exp3A = math.exp %sub3A_11 : vector<1000x1024xf32>
    %convert_element_type3A_12 = arith.truncf %exp3A : vector<1000x1024xf32> to vector<1000x1024xbf16>
    %iota3A = tpu.iota {dimensions = array<i32: 0>} : vector<1000x1024xi32>
    %eq3A_13 = vector.broadcast %get3A_9 : vector<1x1024xi32> to vector<1000x1024xi32>
    %eq3A_14 = arith.cmpi eq, %iota3A, %eq3A_13 : vector<1000x1024xi32>
    %jit3A = arith.constant 0.000000e+00 : bf16
    %broadcast_in_dim3A_15 = vector.broadcast %jit3A : bf16 to vector<1000x1024xbf16>
    %select_n3A = arith.select %eq3A_14, %convert_element_type3A_12, %broadcast_in_dim3A_15 : vector<1000x1024xi1>, vector<1000x1024xbf16>
    %broadcast_in_dim3A_16 = arith.constant 1.000000e+00 : bf16
    %broadcast_in_dim3A_17 = vector.broadcast %broadcast_in_dim3A_16 : bf16 to vector<1x1000xbf16>
    %dot_general3A = arith.constant dense<0.000000e+00> : vector<1x1024xf32>
    %dot_general3A_18 = tpu.matmul %broadcast_in_dim3A_17, %convert_element_type3A_12, %dot_general3A {dimension_numbers = #tpu.dot_dimension_numbers<[1], [0], [0], [1], [0, 0, 1, 1], [], []>, transpose_lhs_hint = false} : vector<1x1000xbf16>, vector<1000x1024xbf16>, vector<1x1024xf32> -> vector<1x1024xf32>
    %dot_general3A_19 = arith.constant dense<0.000000e+00> : vector<1x1024xf32>
    %dot_general3A_20 = tpu.matmul %broadcast_in_dim3A_17, %select_n3A, %dot_general3A_19 {dimension_numbers = #tpu.dot_dimension_numbers<[1], [0], [0], [1], [0, 0, 1, 1], [], []>, transpose_lhs_hint = false} : vector<1x1000xbf16>, vector<1000x1024xbf16>, vector<1x1024xf32> -> vector<1x1024xf32>
    %log3A = math.log %dot_general3A_20 : vector<1x1024xf32>
    %log3A_21 = math.log %dot_general3A_18 : vector<1x1024xf32>
    %sub3A_22 = arith.subf %log3A, %log3A_21 : vector<1x1024xf32>
    %exp3A_23 = math.exp %sub3A_22 : vector<1x1024xf32>
    %sub3A_24 = arith.constant 1.000000e+00 : f32
    %sub3A_25 = vector.broadcast %sub3A_24 : f32 to vector<1x1024xf32>
    %sub3A_26 = arith.subf %sub3A_25, %exp3A_23 : vector<1x1024xf32>
    %mul3A = arith.mulf %sub3A_26, %sub3A_26 : vector<1x1024xf32>
    %neg3A = arith.constant 0.000000e+00 : f32
    %neg3A_27 = vector.broadcast %neg3A : f32 to vector<1x1024xf32>
    %neg3A_28 = arith.subf %neg3A_27, %sub3A_22 : vector<1x1024xf32>
    %mul3A_29 = arith.mulf %mul3A, %neg3A_28 : vector<1x1024xf32>
    %reduce_sum3A = vector.shape_cast %mul3A_29 : vector<1x1024xf32> to vector<1x1x1024xf32>
    %reduce_sum3A_30 = arith.constant dense<0.000000e+00> : vector<1xf32>
    %reduce_sum3A_31 = vector.multi_reduction <add>, %reduce_sum3A, %reduce_sum3A_30 [1, 2] : vector<1x1x1024xf32> to vector<1xf32>
    %reduce_sum3A_32 = vector.shape_cast %reduce_sum3A_31 : vector<1xf32> to vector<1x1x1xf32>
    %reduce_sum3A_33 = vector.extract %reduce_sum3A_32[0, 0, 0] : f32 from vector<1x1x1xf32>
    %get3A_34 = arith.constant 0 : index
    %get3A_35 = arith.constant 0 : index
    %get3A_36 = vector.load %arg2[%get3A_34, %get3A_35] : memref<1000x1024xf32, #tpu.memory_space<vmem>>, vector<1000x1024xf32>
    %get3A_37 = arith.constant 0 : index
    %get3A_38 = arith.constant 0 : index
    %get3A_39 = vector.load %arg4[%get3A_37, %get3A_38] : memref<1x1024xi32, #tpu.memory_space<vmem>>, vector<1x1024xi32>
    %reduce_max3A_40 = arith.constant dense<0xFF800000> : vector<1024xf32>
    %reduce_max3A_41 = vector.multi_reduction <maximumf>, %get3A_36, %reduce_max3A_40 [0] : vector<1000x1024xf32> to vector<1024xf32>
    %broadcast_in_dim3A_42 = vector.shape_cast %reduce_max3A_41 : vector<1024xf32> to vector<1x1024xf32>
    %sub3A_43 = vector.broadcast %broadcast_in_dim3A_42 : vector<1x1024xf32> to vector<1000x1024xf32>
    %sub3A_44 = arith.subf %get3A_36, %sub3A_43 : vector<1000x1024xf32>
    %exp3A_45 = math.exp %sub3A_44 : vector<1000x1024xf32>
    %convert_element_type3A_46 = arith.truncf %exp3A_45 : vector<1000x1024xf32> to vector<1000x1024xbf16>
    %iota3A_47 = tpu.iota {dimensions = array<i32: 0>} : vector<1000x1024xi32>
    %eq3A_48 = vector.broadcast %get3A_39 : vector<1x1024xi32> to vector<1000x1024xi32>
    %eq3A_49 = arith.cmpi eq, %iota3A_47, %eq3A_48 : vector<1000x1024xi32>
    %jit3A_50 = arith.constant 0.000000e+00 : bf16
    %broadcast_in_dim3A_51 = vector.broadcast %jit3A_50 : bf16 to vector<1000x1024xbf16>
    %select_n3A_52 = arith.select %eq3A_49, %convert_element_type3A_46, %broadcast_in_dim3A_51 : vector<1000x1024xi1>, vector<1000x1024xbf16>
    %broadcast_in_dim3A_53 = arith.constant 1.000000e+00 : bf16
    %broadcast_in_dim3A_54 = vector.broadcast %broadcast_in_dim3A_53 : bf16 to vector<1x1000xbf16>
    %dot_general3A_55 = arith.constant dense<0.000000e+00> : vector<1x1024xf32>
    %dot_general3A_56 = tpu.matmul %broadcast_in_dim3A_54, %convert_element_type3A_46, %dot_general3A_55 {dimension_numbers = #tpu.dot_dimension_numbers<[1], [0], [0], [1], [0, 0, 1, 1], [], []>, transpose_lhs_hint = false} : vector<1x1000xbf16>, vector<1000x1024xbf16>, vector<1x1024xf32> -> vector<1x1024xf32>
    %dot_general3A_57 = arith.constant dense<0.000000e+00> : vector<1x1024xf32>
    %dot_general3A_58 = tpu.matmul %broadcast_in_dim3A_54, %select_n3A_52, %dot_general3A_57 {dimension_numbers = #tpu.dot_dimension_numbers<[1], [0], [0], [1], [0, 0, 1, 1], [], []>, transpose_lhs_hint = false} : vector<1x1000xbf16>, vector<1000x1024xbf16>, vector<1x1024xf32> -> vector<1x1024xf32>
    %log3A_59 = math.log %dot_general3A_58 : vector<1x1024xf32>
    %log3A_60 = math.log %dot_general3A_56 : vector<1x1024xf32>
    %sub3A_61 = arith.subf %log3A_59, %log3A_60 : vector<1x1024xf32>
    %exp3A_62 = math.exp %sub3A_61 : vector<1x1024xf32>
    %sub3A_63 = arith.constant 1.000000e+00 : f32
    %sub3A_64 = vector.broadcast %sub3A_63 : f32 to vector<1x1024xf32>
    %sub3A_65 = arith.subf %sub3A_64, %exp3A_62 : vector<1x1024xf32>
    %mul3A_66 = arith.mulf %sub3A_65, %sub3A_65 : vector<1x1024xf32>
    %neg3A_67 = arith.constant 0.000000e+00 : f32
    %neg3A_68 = vector.broadcast %neg3A_67 : f32 to vector<1x1024xf32>
    %neg3A_69 = arith.subf %neg3A_68, %sub3A_61 : vector<1x1024xf32>
    %mul3A_70 = arith.mulf %mul3A_66, %neg3A_69 : vector<1x1024xf32>
    %reduce_sum3A_71 = vector.shape_cast %mul3A_70 : vector<1x1024xf32> to vector<1x1x1024xf32>
    %reduce_sum3A_72 = arith.constant dense<0.000000e+00> : vector<1xf32>
    %reduce_sum3A_73 = vector.multi_reduction <add>, %reduce_sum3A_71, %reduce_sum3A_72 [1, 2] : vector<1x1x1024xf32> to vector<1xf32>
    %reduce_sum3A_74 = vector.shape_cast %reduce_sum3A_73 : vector<1xf32> to vector<1x1x1xf32>
    %reduce_sum3A_75 = vector.extract %reduce_sum3A_74[0, 0, 0] : f32 from vector<1x1x1xf32>
    %add3A = arith.addf %reduce_sum3A_33, %reduce_sum3A_75 : f32
    %add3A_76 = arith.addf %get3A_3, %add3A : f32
    %swap3A = arith.constant 0 : index
    %swap3A_77 = arith.constant 0 : index
    %swap3A_78 = memref.load %arg6[%swap3A, %swap3A_77] : memref<1x1xf32, #tpu.memory_space<smem>>
    memref.store %add3A_76, %arg6[%swap3A, %swap3A_77] : memref<1x1xf32, #tpu.memory_space<smem>>
    %eq3A_79 = arith.constant 3 : i32
    %eq3A_80 = arith.cmpi eq, %arg0, %eq3A_79 : i32
    %convert_element_type3A_81 = arith.extui %eq3A_80 : i1 to i32
    %cond3A_82 = arith.constant 0 : i32
    %cond3A_83 = arith.cmpi ne, %convert_element_type3A_81, %cond3A_82 : i32
    scf.if %cond3A_83 {
      %get3A_84 = arith.constant 0 : index
      %get3A_85 = arith.constant 0 : index
      %get3A_86 = memref.load %arg6[%get3A_84, %get3A_85] : memref<1x1xf32, #tpu.memory_space<smem>>
      %broadcast_in_dim3A_87 = vector.broadcast %get3A_86 : f32 to vector<1x1xf32>
      %swap3A_88 = arith.constant 0 : index
      %swap3A_89 = arith.constant 0 : index
      %swap3A_90 = vector.load %arg5[%swap3A_88, %swap3A_89] : memref<1x1xf32, #tpu.memory_space<vmem>>, vector<1x1xf32>
      tpu.vector_store %arg5[%swap3A_88, %swap3A_89], %broadcast_in_dim3A_87 {strides = array<i32>} : memref<1x1xf32, #tpu.memory_space<vmem>>, vector<1x1xf32>,
    } else {
    }
    return
  }
  func.func @transform_0(%arg0: i32) -> (i32, i32) {
    %mul3A = arith.constant 2 : i32
    %mul3A_0 = arith.muli %mul3A, %arg0 : i32
    %c0_i32 = arith.constant 0 : i32
    %c0_i32_1 = arith.constant 0 : i32
    return %c0_i32, %mul3A_0 : i32, i32
  }
  func.func @transform_1(%arg0: i32) -> (i32, i32) {
    %mul3A = arith.constant 2 : i32
    %mul3A_0 = arith.muli %mul3A, %arg0 : i32
    %add3A = arith.constant 1 : i32
    %add3A_1 = arith.addi %mul3A_0, %add3A : i32
    %c0_i32 = arith.constant 0 : i32
    %c0_i32_2 = arith.constant 0 : i32
    return %c0_i32, %add3A_1 : i32, i32
  }
  func.func @transform_2(%arg0: i32) -> (i32, i32) {
    %mul3A = arith.constant 2 : i32
    %mul3A_0 = arith.muli %mul3A, %arg0 : i32
    %c0_i32 = arith.constant 0 : i32
    %c0_i32_1 = arith.constant 0 : i32
    return %c0_i32, %mul3A_0 : i32, i32
  }
  func.func @transform_3(%arg0: i32) -> (i32, i32) {
    %mul3A = arith.constant 2 : i32
    %mul3A_0 = arith.muli %mul3A, %arg0 : i32
    %add3A = arith.constant 1 : i32
    %add3A_1 = arith.addi %mul3A_0, %add3A : i32
    %c0_i32 = arith.constant 0 : i32
    %c0_i32_2 = arith.constant 0 : i32
    return %c0_i32, %add3A_1 : i32, i32
  }
  func.func @transform_4(%arg0: i32) -> (i32, i32) {
    %c0_i32 = arith.constant 0 : i32
    %c0_i32_0 = arith.constant 0 : i32
    %c0_i32_1 = arith.constant 0 : i32
    return %c0_i32, %c0_i32_0 : i32, i32
  }
}

</mosaic_0001>

<sc_bundles>
// kernel: kernel.5.cloned.1.call-start
scs
__scs_entry_jumppad:
0x0: {  	(pc) =	sbr.rel $0x88, $3  }
0x1: {  	(tag) =	ssettag $0x0;
	lr =	simm.s32 $0x1  }
0x2: {  	[smem:$0x3F9F] =	sst lr;
	_ =	strace $0xD0000000  }
0x3: {  	_ = 	snop  }
0x4: {  	_ = 	snop  }
0x5: {  	_ = 	snop  }
0x6: {  	_ = 	snop  }
0x7: {  	_ = 	snop  }
__scs_overlays_trampoline_lowered:
0x8: {  	[smem:$0x3FAE] =	sst s0  }
0x9: {  	[smem:$0x3FAF] =	sst s1  }
0xa: {  	[smem:$0x3FB0] =	sst s2  }
0xb: {  	[smem:$0x3FB1] =	sst s3  }
0xc: {  	[smem:$0x3FB2] =	sst s4  }
0xd: {  	[smem:$0x3FB3] =	sst s5  }
0xe: {  	[smem:$0x3FB4] =	sst s6  }
0xf: {  	[smem:$0x3FB5] =	sst s7  }
0x10: {  	[smem:$0x3FB6] =	sst s8  }
0x11: {  	[smem:$0x3FB7] =	sst s9;
	s0 =	simm.s32 @!p0 $0x0  }
0x12: {  	s1 =	sld [smem:$0x3F9D];
	s0 =	simm.s32 @p0 $0x1  }
0x13: {  	[smem:$0x3FB8] =	sst s0;
	s0 =	simm.s32 @!p1 $0x0  }
0x14: {  	s2 =	sld [smem:$0x3F9C];
	s0 =	simm.s32 @p1 $0x1  }
0x15: {  	[smem:$0x3FB9] =	sst s0;
	s0 =	simm.s32 @!p2 $0x0  }
0x16: {  	s3 =	sld [smem:$0x3FDB];
	s0 =	simm.s32 @p2 $0x1  }
0x17: {  	s4 =	simm.s32 $0x1BF5;
	[smem:$0x3FBB] =	sst s0  }
0x18: {  	s0 =	sld [smem:$0x3F9E];
	_ =	swait.ge [sflag:s4], $0x0  }
0x19: {  	s7 =	sld [smem:$0x3F9F]  }
0x1a: {  	s8 =	sadd.s32 $0xFFFFE003, lr  }
0x1b: {  	s9 =	sadd.s32 $0xFFFFFEF7, lr;
	s5 =	simm.s32 $0xFFFFFFFF;
	p2 =	slt.u32 s8, $0xFFFFF086  }
0x1c: {  	p1 =	slt.u32 s9, $0xF7A;
	s5 =	simm.s32 @!p2 $0x0  }
0x1d: {  	s5 =	simm.s32 @p1 $0x1;
	p0 =	seq.s32 s7, s2  }
0x1e: {  	s7 =	smul.u32 @!p0 $0xF7A, s2;
	p2 =	seq.s32 @!p0 s5, $0x0  }
0x1f: {  	s9 =	smul.u32 $0xF7A, s1;
	s8 =	simm.s32 @!p0 $0x1BF5;
	p2 =	por !p2, p0  }
0x20: {  	[sflag:s8] =	ssyncset.s32 @!p0 $0xFFFFF086;
	s6 =	sadd.s32 @!p0 s3, s7;
	s7 =	simm.s32 @!p0 $0x108  }
0x21: {  	s3 =	sadd.s32 s3, s9;
	s6 =	sadd.s32 @!p0 $0x88, s6;
	s7 =	simm.s32 @p2 $0x1082  }
0x22: {  	[simem:s7], [sflag:s8] =	dma.local @!p0 [hbm:s6], $0xF7A  }
0x23: {  	s9 =	sor.u32 $0xD0000000, s2;
	s6 =	simm.s32 $0x108;
	_ =	swait.ge @!p0 [sflag:s8], $0x0  }
0x24: {  	s3 =	sadd.s32 $0x88, s3;
	s6 =	simm.s32 @!p1 $0x1082;
	[sflag:s4] =	ssyncset.s32 $0xFFFFF086  }
0x25: {  	[simem:s6], [sflag:s4] =	dma.local [hbm:s3], $0xF7A  }
0x26: {  	[smem:$0x3F9F] =	sst s1;
	(tag) =	ssettag s2;
	_ =	strace s9  }
0x27: {  	s1 =	sld [smem:$0x3FAF]  }
0x28: {  	s2 =	sld [smem:$0x3FB0]  }
0x29: {  	s4 =	sld [smem:$0x3FB2]  }
0x2a: {  	p0 =	seq.s32 s5, $0x0;
	s5 =	sld [smem:$0x3FB3]  }
0x2b: {  	s6 =	sld [smem:$0x3FB4]  }
0x2c: {  	s7 =	sld [smem:$0x3FB5]  }
0x2d: {  	s3 =	simm.s32 $0x108;
	s8 =	sld [smem:$0x3FB6]  }
0x2e: {  	s3 =	simm.s32 @!p0 $0x1082;
	s9 =	sld [smem:$0x3FB7]  }
0x2f: {  	lr =	sadd.s32 s0, s3;
	s0 =	sld [smem:$0x3FAE]  }
0x30: {  	s3 =	sld [smem:$0x3FB1]  }
0x31: {  	[smem:$0x3FBA] =	sst s10  }
0x32: {  	s10 =	sld [smem:$0x3FB8];
	_ =	sdelay $0x3  }
0x33: {  	p0 =	seq.s32 s10, $0x1;
	s10 =	sld [smem:$0x3FBA];
	_ =	sdelay $0x3  }
0x34: {  	[smem:$0x3FBA] =	sst s10  }
0x35: {  	s10 =	sld [smem:$0x3FB9];
	_ =	sdelay $0x3  }
0x36: {  	p1 =	seq.s32 s10, $0x1;
	s10 =	sld [smem:$0x3FBA];
	_ =	sdelay $0x3  }
0x37: {  	[smem:$0x3FBA] =	sst s10  }
0x38: {  	s10 =	sld [smem:$0x3FBB]  }
0x39: {  	_ = 	snop;
	(pc) =	sbr.ind lr, $3  }
0x3a: {  	_ = 	snop  }
0x3b: {  	_ = 	snop  }
0x3c: {  	p2 =	seq.s32 s10, $0x1;
	s10 =	sld [smem:$0x3FBA]  }
0x3d: {  	_ =	shalt  }
0x3e: {  	_ =	shalt  }
0x3f: {  	_ =	shalt  }
0x40: {  	_ =	shalt  }
0x41: {  	_ =	shalt  }
0x42: {  	_ =	shalt  }
0x43: {  	_ =	shalt  }
0x44: {  	_ =	shalt  }
0x45: {  	_ =	shalt  }
0x46: {  	_ =	shalt  }
0x47: {  	_ =	shalt  }
0x48: {  	_ =	shalt  }
0x49: {  	_ =	shalt  }
0x4a: {  	_ =	shalt  }
0x4b: {  	_ =	shalt  }
0x4c: {  	_ =	shalt  }
0x4d: {  	_ =	shalt  }
0x4e: {  	_ =	shalt  }
0x4f: {  	_ =	shalt  }
0x50: {  	_ =	shalt  }
0x51: {  	_ =	shalt  }
0x52: {  	_ =	shalt  }
0x53: {  	_ =	shalt  }
0x54: {  	_ =	shalt  }
0x55: {  	_ =	shalt  }
0x56: {  	_ =	shalt  }
0x57: {  	_ =	shalt  }
0x58: {  	_ =	shalt  }
0x59: {  	_ =	shalt  }
0x5a: {  	_ =	shalt  }
0x5b: {  	_ =	shalt  }
0x5c: {  	_ =	shalt  }
0x5d: {  	_ =	shalt  }
0x5e: {  	_ =	shalt  }
0x5f: {  	_ =	shalt  }
0x60: {  	_ =	shalt  }
0x61: {  	_ =	shalt  }
0x62: {  	_ =	shalt  }
0x63: {  	_ =	shalt  }
0x64: {  	_ =	shalt  }
0x65: {  	_ =	shalt  }
0x66: {  	_ =	shalt  }
0x67: {  	_ =	shalt  }
0x68: {  	_ =	shalt  }
0x69: {  	_ =	shalt  }
0x6a: {  	_ =	shalt  }
0x6b: {  	_ =	shalt  }
0x6c: {  	_ =	shalt  }
0x6d: {  	_ =	shalt  }
0x6e: {  	_ =	shalt  }
0x6f: {  	_ =	shalt  }
0x70: {  	_ =	shalt  }
0x71: {  	_ =	shalt  }
0x72: {  	_ =	shalt  }
0x73: {  	_ =	shalt  }
0x74: {  	_ =	shalt  }
0x75: {  	_ =	shalt  }
0x76: {  	_ =	shalt  }
0x77: {  	_ =	shalt  }
0x78: {  	_ =	shalt  }
0x79: {  	_ =	shalt  }
0x7a: {  	_ =	shalt  }
0x7b: {  	_ =	shalt  }
0x7c: {  	_ =	shalt  }
0x7d: {  	_ =	shalt  }
0x7e: {  	_ =	shalt  }
0x7f: {  	_ =	shalt  }
0x80: {  	_ =	shalt  }
0x81: {  	_ =	shalt  }
0x82: {  	_ =	shalt  }
0x83: {  	_ =	shalt  }
0x84: {  	_ =	shalt  }
0x85: {  	_ =	shalt  }
0x86: {  	_ =	shalt  }
0x87: {  	_ =	shalt  }
.Lfunc_end0:
.L_simem_size_0:
called_computation_lowered:
.L_overlay_start_0:
0x88: {  	s2 =	sld [smem:$0x3FD9]  }
0x89: {  	s3 =	sld [smem:$0x3FFE];
	_ =	sdelay $0x1  }
0x8a: {  	s1 =	srdreg.scid  }
0x8b: {  	s0 =	sand.u32 $0x1, s1  }
0x8c: {  	s17 =	sshll.u32 s0, $0xA;
	s2 =	sadd.s32 s3, s2  }
0x8d: {  	s2 =	sadd.s32 s2, s17  }
0x8e: {  	[smem:$0x3FC6] =	sst s2  }
0x8f: {  	_ = 	snop  }
0x90: {  	s2 =	sld [smem:$0x3FC8];
	(tm) =	ssettm $0x1  }
0x91: {  	s18 =	sld [smem:$0x3FFB];
	_ =	sdelay $0x3  }
0x92: {  	_ =	strace s18  }
0x93: {  	s3 =	sld [smem:$0x3FFC];
	_ =	sdelay $0x3  }
0x94: {  	_ =	strace s3  }
0x95: {  	s3 =	sld [smem:$0x3FFD];
	_ =	sdelay $0x3  }
0x96: {  	_ =	strace s3  }
0x97: {  	_ =	strace $0x8FFFFFFF  }
0x98: {  	s19 =	sld [smem:$0x3FDB];
	_ =	sdelay $0x1  }
0x99: {  	s4 =	simm.s32 $_scs_section_size  }
0x9a: {  	s5 =	simm.s32 $_size__tile_overlayer_lowered;
	s6 =	simm.s32 $_tile_overlayer_lowered  }
0x9b: {  	s22 =	simm.s32 $0x1BFF;
	s21 =	sshll.u32 s6, $0x1;
	s3 =	sadd.s32 s4, s19  }
0x9c: {  	s7 =	simm.s32 $0x0;
	s20 =	sshll.u32 s5, $0x1;
	s5 =	sadd.s32 s21, s3  }
0x9d: {  	[timem:s7], [sflag:s22] =	dma.local [hbm:s5], s20  }
0x9e: {  	_ =	swait.ge [sflag:s22], s20  }
0x9f: {  	s4 =	ssub.s32 $0x0, s20;
	[sflag:s22] =	ssyncset.done $0x0  }
0xa0: {  	[sflag:s22] =	ssyncadd.s32 s4;
	_ =	sdelay $0x1  }
0xa1: {  	s23 =	simm.s32 $0x1B8B  }
0xa2: {  	_ =	swait.ge [sflag:s23], $0x1  }
0xa3: {  	[sflag:s23] =	ssyncset.done $0x0  }
0xa4: {  	s25 =	simm.s32 $0x1B8E;
	s24 =	sld [smem:$0x3FFE];
	[sflag:s23] =	ssyncadd.s32 $0xFFFFFFFF  }
0xa5: {  	s26 =	simm.s32 $execute0_lowered;
	[smem:$0x3FD2] =	sst s25  }
0xa6: {  	s5 =	sshll.u32 s26, $0x1;
	_ =	strace $0x80000046;
	[dreg:$0x1] =	wrdreg $0xFFFFFFFF  }
0xa7: {  	s28 =	simm.s32 $_size_execute0_lowered;
	s3 =	sadd.s32 s3, s5;
	[dreg:$0x0] =	wrdreg $0x0  }
0xa8: {  	s5 =	sshll.u32 s28, $0x1;
	[dreg:$0x2] =	wrdreg s3  }
0xa9: {  	[dreg:$0x3] =	wrdreg s5  }
0xaa: {  	[dreg:$0x4] =	wrdreg $0xC0  }
0xab: {  	_ =	task [dreg:s7], $0x5FFFF  }
0xac: {  	[dreg:$0x1] =	wrdreg $0xFFFFFFFF  }
0xad: {  	[dreg:$0x0] =	wrdreg $0x60  }
0xae: {  	[dreg:$0x2] =	wrdreg s2  }
0xaf: {  	[dreg:$0x3] =	wrdreg s24  }
0xb0: {  	[dreg:$0x4] =	wrdreg $0x9  }
0xb1: {  	_ =	task.clear_ibuf [dreg:s7], $0x5FFFF;
	_ =	strace $0x90000046  }
0xb2: {  	s29 =	simm.s32 $0x9;
	_ =	strace $0x80000048  }
0xb3: {  	_ =	swait.ge [sflag:s29], $0x1  }
0xb4: {  	[sflag:s29] =	ssyncadd.s32 $0xFFFFFFFF  }
0xb5: {  	_ =	strace $0x90000048  }
0xb6: {  	_ =	sfence  }
0xb7: {  	s30 =	sld [smem:$0x0];
	_ =	sdelay $0x2  }
0xb8: {  	s31 =	sshll.u32 s1, $0xD;
	s1 =	sshrl.u32 s1, $0x2  }
0xb9: {  	s3 =	sand.u32 $0x4000, s31;
	s1 =	sadd.s32 s1, s30  }
0xba: {  	s0 =	sor.u32 s3, s0;
	s1 =	sshll.u32 s1, $0x11  }
0xbb: {  	s0 =	sor.u32 s1, s0  }
0xbc: {  	s0 =	sadd.s32 $0x8F2B, s0  }
0xbd: {  	[sflag:s0] =	ssyncadd.remote.s32 $0x1  }
0xbe: {  	_ =	sfence.sel $0xFFFF  }
0xbf: {  	[dreg:$0x0] =	wrdreg $0xFFFFFFFF;
	(pc) =	sbr.abs _section_cstart, $3  }
0xc0: {  	[dreg:$0x1] =	wrdreg $0xFFFFFFFF  }
0xc1: {  	_ =	task.clear_ibuf [dreg:s7], $0x2FFFF;
	_ =	strace $0x9FFFFFFF  }
0xc2: {  	(tm) =	ssettm $0x7FFFFFFF  }
0xc3: {  	_ =	shalt  }
tec
execute0_lowered:
.L_overlay_start_1:
0x0: {  	(tag) =	ssettag $0x1  }
0x1: {  	s3 =	rddreg [dreg:$0x0]  }
0x2: {  	s4 =	rddreg [dreg:$0x1]  }
0x3: {  	s0 =	rddreg [dreg:$0x2]  }
0x4: {  	s2 =	simm.s32 $0x0;
	s1 =	stileid.u32;
	s5 =	srdreg.scid  }
0x5: {  	s9 =	simm.s32 $0x400;
	s10 =	simm.s32 $0x4000;
	s11 =	simm.s32 $0x0  }
0x6: {  	[smem:$0x7FF] =	sst s2;
	s5 =	sand.u32 $0x1, s5;
	s6 =	sshll.u32 s1, $0x1  }
0x7: {  	s7 =	sshll.u32 s1, $0x8;
	_ =	strace $0x80000047;
	s6 =	sor.u32 s5, s6  }
0x8: {  	s7 =	sand.u32 $0xC00, s7;
	s5 =	ssub.s32 $0x2, s5;
	s8 =	sshll.u32 s6, $0x4  }
0x9: {  	s4 =	sadd.s32 s7, s4;
	s31 =	sshrl.u32 s5, $0x1;
	s6 =	sshll.u32 s6, $0x5  }
0xa: {  	s7 =	simm.s32 $0x100;
	s8 =	sand.u32 $0x70, s8;
	s5 =	ssub.s32 s5, s31  }
0xb: {  	v1 =	vlaneseq.u32;
	s3 =	sadd.s32 s3, s6;
	s6 =	simm.s32 $0x1;
	s4 =	sadd.s32 s8, s4  }
0xc: {  	v0 =	vimm.f32 $0.0e+00;
	v2 =	vimm.f32 $1.000000000e+00;
	v1 =	vmul.u32 $0x3F0, v1;
	s5 =	smax.u32 s5, $0x1;
	s8 =	simm.s32 $0x80;
	s4 =	sadd.s32 $0x800, s4  }
.LBB2_1:
0xd: {  	[tilespmem:s2], [sflag:$0x1] =	stream.linear.gather [hbm4b:s3+s2], $0x100, $0x38;
	[tilespmem:$0x4400] =	vst v63  }
0xe: {  	_ =	swait.ge [sflag:s6], $0x100  }
0xf: {  	[sflag:s6] =	ssyncset.done $0x0  }
0x10: {  	s13 =	simm.s32 $0x100;
	s12 =	simm.s32 $0x0;
	[sflag:s6] =	ssyncadd.s32 $0xFFFFFF00  }
.LBB2_2:
0x11: {  	p0 =	sne.s32 s13, $0xFB00;
	[tilespmem:s12+$0x130] =	vst v0;
	s14 =	smov.u32 s13;
	s13 =	sadd.s32 $0x100, s13  }
.Ltmp0:
0x12: {  	[tilespmem:s12+$0x120] =	vst v0;
	(pc) =	sbr.rel @p0 .LBB2_2-.Ltmp0, $3  }
0x13: {  	[tilespmem:s12+$0x100] =	vst v0  }
0x14: {  	[tilespmem:s12+$0x110] =	vst v0;
	_ =	sdelay $0x1  }
0x15: {  	s12 =	sshra.s32 s14, $0x2  }
0x16: {  	[tilespmem:s12+$0x130] =	vst v0  }
0x17: {  	[tilespmem:s12+$0x120] =	vst v0  }
0x18: {  	[tilespmem:s12+$0x100] =	vst v0  }
0x19: {  	[tilespmem:s12+$0x110] =	vst v0  }
0x1a: {  	v3 =	vld [tilespmem:$0x0];
	_ =	sdelay $0x4  }
0x1b: {  	v3 =	vadd.s32 v1, v3;
	_ =	sdelay $0x4  }
0x1c: {  	[tilespmem:v3+s7+$0x0] =	vst.idx.add.f32.msk $0xffff, v2  }
0x1d: {  	v3 =	vld [tilespmem:$0x10];
	_ =	sdelay $0x4  }
0x1e: {  	v3 =	vadd.s32 v1, v3;
	_ =	sdelay $0x4  }
0x1f: {  	[tilespmem:v3+s7+$0x0] =	vst.idx.add.f32.msk $0xffff, v2  }
0x20: {  	v3 =	vld [tilespmem:$0x20];
	_ =	sdelay $0x4  }
0x21: {  	v3 =	vadd.s32 v1, v3;
	_ =	sdelay $0x4  }
0x22: {  	[tilespmem:v3+s7+$0x0] =	vst.idx.add.f32.msk $0xffff, v2  }
0x23: {  	v3 =	vld [tilespmem:$0x30];
	_ =	sdelay $0x4  }
0x24: {  	v3 =	vadd.s32 v1, v3;
	_ =	sdelay $0x4  }
0x25: {  	[tilespmem:v3+s7+$0x0] =	vst.idx.add.f32.msk $0xffff, v2  }
0x26: {  	v3 =	vld [tilespmem:$0x40];
	_ =	sdelay $0x4  }
0x27: {  	v3 =	vadd.s32 v1, v3;
	_ =	sdelay $0x4  }
0x28: {  	[tilespmem:v3+s7+$0x0] =	vst.idx.add.f32.msk $0xffff, v2  }
0x29: {  	v3 =	vld [tilespmem:$0x50];
	_ =	sdelay $0x4  }
0x2a: {  	v3 =	vadd.s32 v1, v3;
	_ =	sdelay $0x4  }
0x2b: {  	[tilespmem:v3+s7+$0x0] =	vst.idx.add.f32.msk $0xffff, v2  }
0x2c: {  	v3 =	vld [tilespmem:$0x60];
	_ =	sdelay $0x4  }
0x2d: {  	v3 =	vadd.s32 v1, v3;
	_ =	sdelay $0x4  }
0x2e: {  	[tilespmem:v3+s7+$0x0] =	vst.idx.add.f32.msk $0xffff, v2  }
0x2f: {  	v3 =	vld [tilespmem:$0x70];
	_ =	sdelay $0x4  }
0x30: {  	v3 =	vadd.s32 v1, v3;
	_ =	sdelay $0x4  }
0x31: {  	[tilespmem:v3+s7+$0x0] =	vst.idx.add.f32.msk $0xffff, v2  }
0x32: {  	v3 =	vld [tilespmem:$0x80];
	_ =	sdelay $0x4  }
0x33: {  	v3 =	vadd.s32 v1, v3;
	_ =	sdelay $0x4  }
0x34: {  	[tilespmem:v3+s7+$0x0] =	vst.idx.add.f32.msk $0xffff, v2  }
0x35: {  	v3 =	vld [tilespmem:$0x90];
	_ =	sdelay $0x4  }
0x36: {  	v3 =	vadd.s32 v1, v3;
	_ =	sdelay $0x4  }
0x37: {  	[tilespmem:v3+s7+$0x0] =	vst.idx.add.f32.msk $0xffff, v2  }
0x38: {  	v3 =	vld [tilespmem:$0xA0];
	_ =	sdelay $0x4  }
0x39: {  	v3 =	vadd.s32 v1, v3;
	_ =	sdelay $0x4  }
0x3a: {  	[tilespmem:v3+s7+$0x0] =	vst.idx.add.f32.msk $0xffff, v2  }
0x3b: {  	v3 =	vld [tilespmem:$0xB0];
	_ =	sdelay $0x4  }
0x3c: {  	v3 =	vadd.s32 v1, v3;
	_ =	sdelay $0x4  }
0x3d: {  	[tilespmem:v3+s7+$0x0] =	vst.idx.add.f32.msk $0xffff, v2  }
0x3e: {  	v3 =	vld [tilespmem:$0xC0];
	_ =	sdelay $0x4  }
0x3f: {  	v3 =	vadd.s32 v1, v3;
	_ =	sdelay $0x4  }
0x40: {  	[tilespmem:v3+s7+$0x0] =	vst.idx.add.f32.msk $0xffff, v2  }
0x41: {  	v3 =	vld [tilespmem:$0xD0];
	_ =	sdelay $0x4  }
0x42: {  	v3 =	vadd.s32 v1, v3;
	_ =	sdelay $0x4  }
0x43: {  	[tilespmem:v3+s7+$0x0] =	vst.idx.add.f32.msk $0xffff, v2  }
0x44: {  	v3 =	vld [tilespmem:$0xE0];
	_ =	sdelay $0x4  }
0x45: {  	v3 =	vadd.s32 v1, v3;
	_ =	sdelay $0x4  }
0x46: {  	[tilespmem:v3+s7+$0x0] =	vst.idx.add.f32.msk $0xffff, v2  }
0x47: {  	v3 =	vld [tilespmem:$0xF0];
	_ =	sdelay $0x4  }
0x48: {  	v3 =	vadd.s32 v1, v3;
	_ =	sdelay $0x4  }
0x49: {  	s31 =	simm.s32 $0x2470;
	[tilespmem:v3+s7+$0x0] =	vst.idx.add.f32.msk $0xffff, v2  }
0x4a: {  	v3 =	vld [tilespmem:s31+$0xFFFFE080]  }
0x4b: {  	v4 =	vld [tilespmem:s31+$0xFFFFDC90];
	_ =	sdelay $0x1  }
0x4c: {  	v5 =	vld [tilespmem:s31+$0xFFFFE470];
	_ =	sdelay $0x1  }
0x4d: {  	v6 =	vld [tilespmem:s31+$0xFFFFE860]  }
0x4e: {  	v3 =	vadd.f32 v3, v4  }
0x4f: {  	v4 =	vld [tilespmem:s31+$0xFFFFEC50]  }
0x50: {  	v3 =	vadd.f32 v5, v3  }
0x51: {  	v5 =	vld [tilespmem:s31+$0xFFFFF040]  }
0x52: {  	v3 =	vadd.f32 v6, v3  }
0x53: {  	v6 =	vld [tilespmem:s31+$0xFFFFF430]  }
0x54: {  	v3 =	vadd.f32 v4, v3  }
0x55: {  	s13 =	simm.s32 $0x0;
	v4 =	vld [tilespmem:s31+$0xFFFFF820]  }
0x56: {  	s13 =	sand.u32 $0x3F0, s13;
	v3 =	vadd.f32 v5, v3  }
0x57: {  	v5 =	vld [tilespmem:s13+$0x2080]  }
0x58: {  	v3 =	vadd.f32 v6, v3  }
0x59: {  	v6 =	vld [tilespmem:s31+$0x0]  }
0x5a: {  	v3 =	vadd.f32 v4, v3  }
0x5b: {  	v4 =	vld [tilespmem:s31+$0x3F0]  }
0x5c: {  	v3 =	vadd.f32 v5, v3  }
0x5d: {  	v5 =	vld [tilespmem:s31+$0x7E0]  }
0x5e: {  	v3 =	vadd.f32 v6, v3  }
0x5f: {  	v6 =	vld [tilespmem:s31+$0xBD0]  }
0x60: {  	v3 =	vadd.f32 v4, v3  }
0x61: {  	v4 =	vld [tilespmem:s31+$0xFC0]  }
0x62: {  	v3 =	vadd.f32 v5, v3  }
0x63: {  	v5 =	vld [tilespmem:s31+$0x13B0]  }
0x64: {  	v3 =	vadd.f32 v6, v3  }
0x65: {  	v6 =	vld [tilespmem:s31+$0x17A0]  }
0x66: {  	v3 =	vadd.f32 v4, v3;
	_ =	sdelay $0x1  }
0x67: {  	v3 =	vadd.f32 v5, v3;
	_ =	sdelay $0x1  }
0x68: {  	v3 =	vadd.f32 v6, v3  }
0x69: {  	s12 =	simm.s32 $0x4000  }
0x6a: {  	s13 =	simm.s32 $0x2480;
	[tilespmem:s12+$0x0] =	vst v3  }
0x6b: {  	v3 =	vld [tilespmem:s13+$0xFFFFE080]  }
0x6c: {  	s14 =	simm.s32 $0x10;
	s15 =	simm.s32 $0x20;
	v4 =	vld [tilespmem:s13+$0xFFFFDC90]  }
.LBB2_4:
0x6d: {  	p0 =	sne.s32 s15, $0x3E0  }
0x6e: {  	v5 =	vld [tilespmem:s13+$0xFFFFE470];
	_ =	sdelay $0x1  }
0x6f: {  	v6 =	vld [tilespmem:s13+$0xFFFFE860]  }
0x70: {  	v3 =	vadd.f32 v3, v4  }
0x71: {  	v4 =	vld [tilespmem:s13+$0xFFFFEC50]  }
0x72: {  	v3 =	vadd.f32 v5, v3  }
0x73: {  	v5 =	vld [tilespmem:s13+$0xFFFFF040]  }
0x74: {  	v3 =	vadd.f32 v6, v3  }
0x75: {  	v6 =	vld [tilespmem:s13+$0xFFFFF430]  }
0x76: {  	v3 =	vadd.f32 v4, v3  }
0x77: {  	v4 =	vld [tilespmem:s13+$0xFFFFF820]  }
0x78: {  	s16 =	sand.u32 $0x3F0, s14;
	s14 =	smov.u32 s15;
	v3 =	vadd.f32 v5, v3  }
0x79: {  	v5 =	vld [tilespmem:s16+$0x2080]  }
0x7a: {  	v3 =	vadd.f32 v6, v3  }
0x7b: {  	v6 =	vld [tilespmem:s13+$0x0]  }
0x7c: {  	v3 =	vadd.f32 v4, v3  }
0x7d: {  	v4 =	vld [tilespmem:s13+$0x3F0]  }
0x7e: {  	v3 =	vadd.f32 v5, v3  }
0x7f: {  	v5 =	vld [tilespmem:s13+$0x7E0]  }
0x80: {  	v3 =	vadd.f32 v6, v3  }
0x81: {  	v6 =	vld [tilespmem:s13+$0xBD0]  }
0x82: {  	v3 =	vadd.f32 v4, v3  }
0x83: {  	v4 =	vld [tilespmem:s13+$0xFC0]  }
0x84: {  	v3 =	vadd.f32 v5, v3  }
0x85: {  	v5 =	vld [tilespmem:s13+$0x13B0]  }
0x86: {  	v3 =	vadd.f32 v6, v3  }
0x87: {  	v6 =	vld [tilespmem:s13+$0x17A0]  }
0x88: {  	v3 =	vadd.f32 v4, v3;
	_ =	sdelay $0x1  }
0x89: {  	v3 =	vadd.f32 v5, v3;
	_ =	sdelay $0x1  }
.Ltmp1:
0x8a: {  	v3 =	vadd.f32 v6, v3;
	(pc) =	sbr.rel @p0 .LBB2_4-.Ltmp1, $4  }
0x8b: {  	s12 =	sadd.s32 $0x10, s12  }
0x8c: {  	s13 =	sadd.s32 $0x10, s13;
	[tilespmem:s12+$0x0] =	vst v3  }
0x8d: {  	v3 =	vld [tilespmem:s13+$0xFFFFE080]  }
0x8e: {  	s15 =	sadd.s32 $0x10, s15;
	v4 =	vld [tilespmem:s13+$0xFFFFDC90]  }
0x8f: {  	_ = 	snop  }
0x90: {  	v5 =	vld [tilespmem:s13+$0xFFFFE470];
	_ =	sdelay $0x1  }
0x91: {  	v6 =	vld [tilespmem:s13+$0xFFFFE860]  }
0x92: {  	v3 =	vadd.f32 v3, v4  }
0x93: {  	v52 =	vld [tilespmem:s13+$0xFFFFEC50]  }
0x94: {  	v3 =	vadd.f32 v5, v3  }
0x95: {  	v53 =	vld [tilespmem:s13+$0xFFFFF040]  }
0x96: {  	v3 =	vadd.f32 v6, v3  }
0x97: {  	v54 =	vld [tilespmem:s13+$0xFFFFF430]  }
0x98: {  	v3 =	vadd.f32 v52, v3  }
0x99: {  	v55 =	vld [tilespmem:s13+$0xFFFFF820]  }
0x9a: {  	s14 =	sand.u32 $0x3F0, s14;
	v3 =	vadd.f32 v53, v3  }
0x9b: {  	v56 =	vld [tilespmem:s14+$0x2080]  }
0x9c: {  	v3 =	vadd.f32 v54, v3  }
0x9d: {  	v57 =	vld [tilespmem:s13+$0x0]  }
0x9e: {  	v3 =	vadd.f32 v55, v3  }
0x9f: {  	v58 =	vld [tilespmem:s13+$0x3F0]  }
0xa0: {  	v3 =	vadd.f32 v56, v3  }
0xa1: {  	v59 =	vld [tilespmem:s13+$0x7E0]  }
0xa2: {  	v3 =	vadd.f32 v57, v3  }
0xa3: {  	v60 =	vld [tilespmem:s13+$0xBD0]  }
0xa4: {  	v3 =	vadd.f32 v58, v3  }
0xa5: {  	v61 =	vld [tilespmem:s13+$0xFC0]  }
0xa6: {  	v3 =	vadd.f32 v59, v3  }
0xa7: {  	v62 =	vld [tilespmem:s13+$0x13B0]  }
0xa8: {  	v3 =	vadd.f32 v60, v3  }
0xa9: {  	v63 =	vld [tilespmem:s13+$0x17A0]  }
0xaa: {  	v3 =	vadd.f32 v61, v3;
	_ =	sdelay $0x1  }
0xab: {  	v3 =	vadd.f32 v62, v3;
	_ =	sdelay $0x1  }
0xac: {  	s11 =	sadd.s32 $0x1, s11;
	v3 =	vadd.f32 v63, v3  }
0xad: {  	s12 =	sadd.s32 $0x10, s12;
	p0 =	sne.s32 s11, s5  }
.Ltmp2:
0xae: {  	[tilespmem:s12+$0x0] =	vst v3;
	(pc) =	sbr.rel @p0 .LBB2_1-.Ltmp2, $4  }
0xaf: {  	[hbm4b:s4+s8] =	stream.strided.scatter [tilespmem:s10], [sflag:$0x1], $0x400, s9, s8, $0x38;
	[tilespmem:$0x4400] =	vst v63  }
0xb0: {  	_ =	swait.ge [sflag:s6], $0x400  }
0xb1: {  	[sflag:s6] =	ssyncset.done $0x0  }
0xb2: {  	[sflag:s6] =	ssyncadd.s32 $0xFFFFFC00  }
0xb3: {  	_ =	sfence.sel $0x180000  }
0xb4: {  	[bflag:$0x0] =	sbarrier.arrive $0xFFFF  }
0xb5: {  	p0 =	sne.s32 s1, $0x0;
	_ =	strace $0x90000047  }
0xb6: {  	s0 =	sadd.s32 @!p0 $0x100000, s0;
	[bflag:$0x2] =	sbarrier.arrive $0xFFFF  }
0xb7: {  	[sflag:s0] =	ssyncadd.tile.s32 @!p0 $0x1;
	_ =	shalt  }
.Lfunc_end2:
_tile_overlayer_lowered:
.L_overlay_start_2:
0xb8: {  	(tag) =	ssettag $0x2  }
0xb9: {  	s0 =	rddreg [dreg:$0x0];
	s2 =	stileid.u32  }
0xba: {  	s1 =	rddreg [dreg:$0x1];
	p0 =	sne.s32 s2, $0x0  }
0xbb: {  	s3 =	rddreg [dreg:$0x2];
	[bflag:$0x3] =	sbarrier.arrive $0xFFFF;
	s2 =	simm.s32 @!p0 $0x1C01  }
0xbc: {  	[timem:s3], [sflag:s2] =	dma.local @!p0 [hbm:s0], s1  }
0xbd: {  	s0 =	simm.s32 @!p0 $0x1  }
0xbe: {  	_ =	swait.ge @!p0 [sflag:s0], s1  }
0xbf: {  	s1 =	ssub.s32 @!p0 $0x0, s1;
	[sflag:s0] =	ssyncset.done @!p0 $0x0  }
0xc0: {  	[sflag:s0] =	ssyncadd.s32 @!p0 s1  }
0xc1: {  	[bflag:$0x3] =	sbarrier.arrive $0xFFFF  }
0xc2: {  	_ =	shalt  }

</sc_bundles>
